<compile_context>
chip_gen: v7x
topology: tpu7x:2x2x1
jax: 0.10.2.dev20260603
libtpu: 0.0.44.dev20260713+nightly
codegen_flags: <defaults>
</compile_context>

<pallas_src>
import math

import jax
import jax.numpy as jnp
from jax import lax
from jax.experimental import pallas as pl
from jax.experimental.pallas import tpu as pltpu
from jax.experimental.pallas import tpu_sc as plsc

N = 2048
SIZE = 32000
SMOOTHING = 0.1
EPS = SMOOTHING / (SIZE - 1)
CONF = 1.0 - SMOOTHING
C0 = (SIZE - 1) * EPS * math.log(EPS) + CONF * math.log(CONF)

NC = 2
NS = 16
LANES = 16
NW = NC * NS
BPW = N // NW

RSC = 512
RPS = RSC // NW
NBUF = 2
UNROLL = 8
VECS = SIZE // (LANES * UNROLL)

SCOUT = N + NW * LANES

TCB = 32
NSTREAM = 4
NTC = N - RSC
RRS = NTC // NSTREAM
GRID = NTC // (NSTREAM * TCB)


def _sc_body(xflat, tgt, out, tgt_v, idx_v, val_v, buf0, buf1, stage,
             gsem, sem0, sem1):
    wid = lax.axis_index("s") * NC + lax.axis_index("c")
    row0 = wid * RPS
    bufs = (buf0, buf1)
    sems = (sem0, sem1)
    for b in range(NBUF):
        pltpu.async_copy(
            xflat.at[pl.ds((row0 + b) * SIZE, SIZE)], bufs[b], sems[b]
        )

    base = wid * BPW
    pltpu.sync_copy(tgt.at[pl.ds(base, BPW)], tgt_v)
    for j in range(BPW // LANES):
        rows = (base + j * LANES) + lax.broadcasted_iota(jnp.int32, (LANES,), 0)
        idx_v[pl.ds(j * LANES, LANES)] = rows * SIZE + tgt_v[pl.ds(j * LANES, LANES)]
    pltpu.async_copy(xflat.at[idx_v], val_v, gsem).wait()
    pltpu.sync_copy(val_v, out.at[pl.ds(base, BPW)])

    accs = tuple(jnp.zeros((LANES,), jnp.float32) for _ in range(UNROLL))

    def row_group(g, accs):
        for b in range(NBUF):
            r = g * NBUF + b
            cur = bufs[b]
            pltpu.make_async_copy(
                xflat.at[pl.ds(0, SIZE)], cur, sems[b]
            ).wait()

            def body(i, accs_, cur=cur):
                base = i * (LANES * UNROLL)
                return tuple(
                    a + cur[pl.ds(base + k * LANES, LANES)]
                    for k, a in enumerate(accs_)
                )

            accs = lax.fori_loop(0, VECS, body, accs)

            @pl.when(r + NBUF < RPS)
            def _refill(r=r, b=b):
                pltpu.async_copy(
                    xflat.at[pl.ds((row0 + r + NBUF) * SIZE, SIZE)],
                    bufs[b],
                    sems[b],
                )

        return accs

    accs = lax.fori_loop(0, RPS // NBUF, row_group, accs)
    total = accs[0]
    for a in accs[1:]:
        total = total + a
    stage[...] = total
    pltpu.sync_copy(stage, out.at[pl.ds(N + wid * LANES, LANES)])


def _sc_stage(xflat, tgt):
    k = pl.kernel(
        _sc_body,
        out_type=jax.ShapeDtypeStruct((SCOUT,), jnp.float32),
        mesh=plsc.VectorSubcoreMesh(core_axis_name="c", subcore_axis_name="s"),
        scratch_types=[
            pltpu.VMEM((BPW,), jnp.int32),
            pltpu.VMEM((BPW,), jnp.int32),
            pltpu.VMEM((BPW,), jnp.float32),
            pltpu.VMEM((SIZE,), jnp.float32),
            pltpu.VMEM((SIZE,), jnp.float32),
            pltpu.VMEM((LANES,), jnp.float32),
            pltpu.SemaphoreType.DMA,
            pltpu.SemaphoreType.DMA,
            pltpu.SemaphoreType.DMA,
        ],
    )
    return k(xflat, tgt)


def _tc_sum_body(*refs):
    xs = refs[:NSTREAM]
    out = refs[NSTREAM]
    acc = refs[NSTREAM + 1]
    i = pl.program_id(0)

    @pl.when(i == 0)
    def _init():
        acc[0] = jnp.float32(0.0)

    s = jnp.sum(xs[0][...])
    for xr in xs[1:]:
        s = s + jnp.sum(xr[...])
    acc[0] += s

    @pl.when(i == GRID - 1)
    def _finish():
        out[0, 0] = acc[0]


def _tc_sum(x):
    stream_specs = [
        pl.BlockSpec(
            (TCB, SIZE),
            lambda i, j=j: ((RSC + j * RRS) // TCB + i, 0),
        )
        for j in range(NSTREAM)
    ]
    out = pl.pallas_call(
        _tc_sum_body,
        grid=(GRID,),
        in_specs=stream_specs,
        out_specs=pl.BlockSpec(memory_space=pltpu.SMEM),
        out_shape=jax.ShapeDtypeStruct((1, 1), jnp.float32),
        scratch_shapes=[pltpu.SMEM((1,), jnp.float32)],
    )(*([x] * NSTREAM))
    return out


def _combine_body(sc_ref, tcp_ref, out_ref):
    g = jnp.sum(sc_ref[0 : N // 128, :])
    s = jnp.sum(sc_ref[N // 128 :, :]) + tcp_ref[0, 0]
    out_ref[0, 0] = (
        jnp.float32(C0)
        - jnp.float32(EPS) * (s / N)
        + jnp.float32(EPS - CONF) * (g / N)
    )


def _combine(scout, tcp):
    out = pl.pallas_call(
        _combine_body,
        in_specs=[
            pl.BlockSpec((SCOUT // 128, 128), lambda: (0, 0)),
            pl.BlockSpec(memory_space=pltpu.SMEM),
        ],
        out_specs=pl.BlockSpec(memory_space=pltpu.SMEM),
        out_shape=jax.ShapeDtypeStruct((1, 1), jnp.float32),
    )(scout.reshape(SCOUT // 128, 128), tcp)
    return out[0, 0]


def kernel(x, target):
    tgt = target.astype(jnp.int32)
    xflat = x.reshape(N * SIZE)
    scout = _sc_stage(xflat, tgt)
    tcp = _tc_sum(x)
    return _combine(scout, tcp)

# --- scband reference (transcript-rebuilt; emitter-appended) ---
"""Pipeline reference for scband-label-smoothing-loss-87265145520382 (READ-ONLY COPY).

The authoritative reference and input builder live on the scoring server;
editing this copy changes nothing except your own understanding.
"""

import jax, jax.numpy as jnp
import numpy as np

SIZE = 32000
SMOOTHING = 0.1
N = 2048

def setup_inputs(seed: int = 0) -> dict:
    key = jax.random.key(seed)
    k1, k2 = jax.random.split(key)
    # x is expected to be log-probabilities (input to KLDivLoss)
    logits = jax.random.normal(k1, (N, SIZE), dtype=jnp.float32)
    x = jax.nn.log_softmax(logits, axis=-1)
    target = jax.random.randint(k2, (N,), 0, SIZE, dtype=jnp.int64)
    return {"x": x, "target": target}

def reference(x, target):
    n = x.shape[0]
    # true_dist = smoothing/(size-1) everywhere, (1-smoothing) at target (scatter-overwrite)
    true_dist = jnp.full(x.shape, SMOOTHING / (SIZE - 1), dtype=x.dtype)
    true_dist = true_dist.at[jnp.arange(n), target].set(1.0 - SMOOTHING)
    true_dist = jax.lax.stop_gradient(true_dist)
    # KLDivLoss(reduction='batchmean'): sum(target * (log(target) - input)) / batch
    pointwise = true_dist * (jnp.log(true_dist) - x)
    loss = jnp.sum(pointwise) / n
    return loss

if __name__ == "__main__":
    import jax
    _d = setup_inputs()
    print(jax.jit(kernel)(*tuple(_d.values())))

</pallas_src>

<mosaic_0001>
#map = affine_map<(d0, d1) -> (0)>
module attributes {stable_mosaic.version = 14 : i64} {
  func.func @_sc_body(%arg0: i32, %arg1: i32, %arg2: memref<65536000xf32, #tpu.memory_space<hbm>>, %arg3: memref<2048xi32, #tpu.memory_space<hbm>>, %arg4: memref<2560xf32, #tpu.memory_space<hbm>>, %arg5: memref<64xi32, #tpu.memory_space<vmem>>, %arg6: memref<64xi32, #tpu.memory_space<vmem>>, %arg7: memref<64xf32, #tpu.memory_space<vmem>>, %arg8: memref<32000xf32, #tpu.memory_space<vmem>>, %arg9: memref<32000xf32, #tpu.memory_space<vmem>>, %arg10: memref<16xf32, #tpu.memory_space<vmem>>, %arg11: memref<!tpu.dma_semaphore, #tpu.memory_space<semaphore_mem>>, %arg12: memref<!tpu.dma_semaphore, #tpu.memory_space<semaphore_mem>>, %arg13: memref<!tpu.dma_semaphore, #tpu.memory_space<semaphore_mem>>) attributes {dimension_semantics = [#tpu.dimension_semantics<core_parallel>, #tpu.dimension_semantics<subcore_parallel>], iteration_bounds = array<i64: 2, 16>, scalar_prefetch = 0 : i64, scratch_operands = 9 : i64, tpu.core_type = #tpu.core_type<sc_vector_subcore>, window_params = [{transform_indices = #map}, {transform_indices = #map}, {transform_indices = #map}]} {
    %mul3A = arith.constant 2 : i32
    %mul3A_0 = arith.muli %arg1, %mul3A : i32
    %add3A = arith.addi %mul3A_0, %arg0 : i32
    %mul3A_1 = arith.constant 16 : i32
    %mul3A_2 = arith.muli %add3A, %mul3A_1 : i32
    %add3A_3 = arith.constant 0 : i32
    %add3A_4 = arith.addi %mul3A_2, %add3A_3 : i32
    %mul3A_5 = arith.constant 32000 : i32
    %mul3A_6 = arith.muli %add3A_4, %mul3A_5 : i32
    %dma_start3A = tpu.memref_slice %arg2[%mul3A_6] : memref<65536000xf32, #tpu.memory_space<hbm>> -> memref<32000xf32, #tpu.memory_space<hbm>>
    %dma_start3A_7 = tpu.memref_slice %arg2[%mul3A_6] : memref<65536000xf32, #tpu.memory_space<hbm>> -> memref<32000xf32, #tpu.memory_space<hbm>>
    tpu.enqueue_dma source(%dma_start3A_7 : memref<32000xf32, #tpu.memory_space<hbm>>) target(%arg8 : memref<32000xf32, #tpu.memory_space<vmem>>) target_semaphore(%arg12 : memref<!tpu.dma_semaphore, #tpu.memory_space<semaphore_mem>>)
    %add3A_8 = arith.constant 1 : i32
    %add3A_9 = arith.addi %mul3A_2, %add3A_8 : i32
    %mul3A_10 = arith.constant 32000 : i32
    %mul3A_11 = arith.muli %add3A_9, %mul3A_10 : i32
    %dma_start3A_12 = tpu.memref_slice %arg2[%mul3A_11] : memref<65536000xf32, #tpu.memory_space<hbm>> -> memref<32000xf32, #tpu.memory_space<hbm>>
    %dma_start3A_13 = tpu.memref_slice %arg2[%mul3A_11] : memref<65536000xf32, #tpu.memory_space<hbm>> -> memref<32000xf32, #tpu.memory_space<hbm>>
    tpu.enqueue_dma source(%dma_start3A_13 : memref<32000xf32, #tpu.memory_space<hbm>>) target(%arg9 : memref<32000xf32, #tpu.memory_space<vmem>>) target_semaphore(%arg13 : memref<!tpu.dma_semaphore, #tpu.memory_space<semaphore_mem>>)
    %mul3A_14 = arith.constant 64 : i32
    %mul3A_15 = arith.muli %add3A, %mul3A_14 : i32
    "tpu.region"() ({
      %run_scoped3A = tpu.sem_alloc : memref<!tpu.dma_semaphore, #tpu.memory_space<semaphore_mem>>
      %dma_start3A_115 = tpu.memref_slice %arg3[%mul3A_15] : memref<2048xi32, #tpu.memory_space<hbm>> -> memref<64xi32, #tpu.memory_space<hbm>>
      %dma_start3A_116 = tpu.memref_slice %arg3[%mul3A_15] : memref<2048xi32, #tpu.memory_space<hbm>> -> memref<64xi32, #tpu.memory_space<hbm>>
      tpu.enqueue_dma source(%dma_start3A_116 : memref<64xi32, #tpu.memory_space<hbm>>) target(%arg5 : memref<64xi32, #tpu.memory_space<vmem>>) target_semaphore(%run_scoped3A : memref<!tpu.dma_semaphore, #tpu.memory_space<semaphore_mem>>)
      %dma_wait3A_117 = tpu.memref_slice %arg3[%mul3A_15] : memref<2048xi32, #tpu.memory_space<hbm>> -> memref<64xi32, #tpu.memory_space<hbm>>
      %dma_wait3A_118 = tpu.memref_slice %arg3[%mul3A_15] : memref<2048xi32, #tpu.memory_space<hbm>> -> memref<64xi32, #tpu.memory_space<hbm>>
      tpu.wait_dma2 semaphore(%run_scoped3A : memref<!tpu.dma_semaphore, #tpu.memory_space<semaphore_mem>>) src(%dma_wait3A_118 : memref<64xi32, #tpu.memory_space<hbm>>) dst(%arg5 : memref<64xi32, #tpu.memory_space<vmem>>)
      tpu.yield
    }) : () -> ()
    %add3A_16 = arith.constant 0 : i32
    %add3A_17 = arith.addi %mul3A_15, %add3A_16 : i32
    %iota3A = tpu.iota {dimensions = array<i32: 0>} : vector<16xi32>
    %add3A_18 = vector.broadcast %add3A_17 : i32 to vector<16xi32>
    %add3A_19 = arith.addi %add3A_18, %iota3A : vector<16xi32>
    %mul3A_20 = arith.constant 32000 : i32
    %mul3A_21 = vector.broadcast %mul3A_20 : i32 to vector<16xi32>
    %mul3A_22 = arith.muli %add3A_19, %mul3A_21 : vector<16xi32>
    %get3A = arith.constant 0 : index
    %get3A_23 = tpu.vector_load %arg5[%get3A] {strides = array<i32>} : memref<64xi32, #tpu.memory_space<vmem>>, vector<16xi32>,
    %get3A_24 = vector.shape_cast %get3A_23 : vector<16xi32> to vector<16xi32>
    %add3A_25 = arith.addi %mul3A_22, %get3A_24 : vector<16xi32>
    %swap3A = arith.constant 0 : index
    %swap3A_26 = tpu.vector_load %arg6[%swap3A] {strides = array<i32>} : memref<64xi32, #tpu.memory_space<vmem>>, vector<16xi32>,
    %swap3A_27 = vector.shape_cast %swap3A_26 : vector<16xi32> to vector<16xi32>
    %swap3A_28 = vector.shape_cast %add3A_25 : vector<16xi32> to vector<16xi32>
    tpu.vector_store %arg6[%swap3A], %swap3A_28 {strides = array<i32>} : memref<64xi32, #tpu.memory_space<vmem>>, vector<16xi32>,
    %add3A_29 = arith.constant 16 : i32
    %add3A_30 = arith.addi %mul3A_15, %add3A_29 : i32
    %iota3A_31 = tpu.iota {dimensions = array<i32: 0>} : vector<16xi32>
    %add3A_32 = vector.broadcast %add3A_30 : i32 to vector<16xi32>
    %add3A_33 = arith.addi %add3A_32, %iota3A_31 : vector<16xi32>
    %mul3A_34 = arith.constant 32000 : i32
    %mul3A_35 = vector.broadcast %mul3A_34 : i32 to vector<16xi32>
    %mul3A_36 = arith.muli %add3A_33, %mul3A_35 : vector<16xi32>
    %get3A_37 = arith.constant 16 : index
    %get3A_38 = tpu.vector_load %arg5[%get3A_37] {strides = array<i32>} : memref<64xi32, #tpu.memory_space<vmem>>, vector<16xi32>,
    %get3A_39 = vector.shape_cast %get3A_38 : vector<16xi32> to vector<16xi32>
    %add3A_40 = arith.addi %mul3A_36, %get3A_39 : vector<16xi32>
    %swap3A_41 = arith.constant 16 : index
    %swap3A_42 = tpu.vector_load %arg6[%swap3A_41] {strides = array<i32>} : memref<64xi32, #tpu.memory_space<vmem>>, vector<16xi32>,
    %swap3A_43 = vector.shape_cast %swap3A_42 : vector<16xi32> to vector<16xi32>
    %swap3A_44 = vector.shape_cast %add3A_40 : vector<16xi32> to vector<16xi32>
    tpu.vector_store %arg6[%swap3A_41], %swap3A_44 {strides = array<i32>} : memref<64xi32, #tpu.memory_space<vmem>>, vector<16xi32>,
    %add3A_45 = arith.constant 32 : i32
    %add3A_46 = arith.addi %mul3A_15, %add3A_45 : i32
    %iota3A_47 = tpu.iota {dimensions = array<i32: 0>} : vector<16xi32>
    %add3A_48 = vector.broadcast %add3A_46 : i32 to vector<16xi32>
    %add3A_49 = arith.addi %add3A_48, %iota3A_47 : vector<16xi32>
    %mul3A_50 = arith.constant 32000 : i32
    %mul3A_51 = vector.broadcast %mul3A_50 : i32 to vector<16xi32>
    %mul3A_52 = arith.muli %add3A_49, %mul3A_51 : vector<16xi32>
    %get3A_53 = arith.constant 32 : index
    %get3A_54 = tpu.vector_load %arg5[%get3A_53] {strides = array<i32>} : memref<64xi32, #tpu.memory_space<vmem>>, vector<16xi32>,
    %get3A_55 = vector.shape_cast %get3A_54 : vector<16xi32> to vector<16xi32>
    %add3A_56 = arith.addi %mul3A_52, %get3A_55 : vector<16xi32>
    %swap3A_57 = arith.constant 32 : index
    %swap3A_58 = tpu.vector_load %arg6[%swap3A_57] {strides = array<i32>} : memref<64xi32, #tpu.memory_space<vmem>>, vector<16xi32>,
    %swap3A_59 = vector.shape_cast %swap3A_58 : vector<16xi32> to vector<16xi32>
    %swap3A_60 = vector.shape_cast %add3A_56 : vector<16xi32> to vector<16xi32>
    tpu.vector_store %arg6[%swap3A_57], %swap3A_60 {strides = array<i32>} : memref<64xi32, #tpu.memory_space<vmem>>, vector<16xi32>,
    %add3A_61 = arith.constant 48 : i32
    %add3A_62 = arith.addi %mul3A_15, %add3A_61 : i32
    %iota3A_63 = tpu.iota {dimensions = array<i32: 0>} : vector<16xi32>
    %add3A_64 = vector.broadcast %add3A_62 : i32 to vector<16xi32>
    %add3A_65 = arith.addi %add3A_64, %iota3A_63 : vector<16xi32>
    %mul3A_66 = arith.constant 32000 : i32
    %mul3A_67 = vector.broadcast %mul3A_66 : i32 to vector<16xi32>
    %mul3A_68 = arith.muli %add3A_65, %mul3A_67 : vector<16xi32>
    %get3A_69 = arith.constant 48 : index
    %get3A_70 = tpu.vector_load %arg5[%get3A_69] {strides = array<i32>} : memref<64xi32, #tpu.memory_space<vmem>>, vector<16xi32>,
    %get3A_71 = vector.shape_cast %get3A_70 : vector<16xi32> to vector<16xi32>
    %add3A_72 = arith.addi %mul3A_68, %get3A_71 : vector<16xi32>
    %swap3A_73 = arith.constant 48 : index
    %swap3A_74 = tpu.vector_load %arg6[%swap3A_73] {strides = array<i32>} : memref<64xi32, #tpu.memory_space<vmem>>, vector<16xi32>,
    %swap3A_75 = vector.shape_cast %swap3A_74 : vector<16xi32> to vector<16xi32>
    %swap3A_76 = vector.shape_cast %add3A_72 : vector<16xi32> to vector<16xi32>
    tpu.vector_store %arg6[%swap3A_73], %swap3A_76 {strides = array<i32>} : memref<64xi32, #tpu.memory_space<vmem>>, vector<16xi32>,
    %dma_start3A_77 = arith.constant 0 : i32
    %dma_start3A_78 = tpu.memref_slice %arg2[%dma_start3A_77] : memref<65536000xf32, #tpu.memory_space<hbm>> -> memref<65536000xf32, #tpu.memory_space<hbm>>
    tpu.enqueue_indirect_dma source(%dma_start3A_78 : memref<65536000xf32, #tpu.memory_space<hbm>>) target(%arg7 : memref<64xf32, #tpu.memory_space<vmem>>) offsets(%arg6 : memref<64xi32, #tpu.memory_space<vmem>>) semaphore(%arg11 : memref<!tpu.dma_semaphore, #tpu.memory_space<semaphore_mem>>)
    %dma_wait3A = arith.constant 0 : i32
    %dma_wait3A_79 = tpu.memref_slice %arg2[%dma_wait3A] : memref<65536000xf32, #tpu.memory_space<hbm>> -> memref<65536000xf32, #tpu.memory_space<hbm>>
    tpu.wait_indirect_dma semaphore(%arg11 : memref<!tpu.dma_semaphore, #tpu.memory_space<semaphore_mem>>) src(%dma_wait3A_79 : memref<65536000xf32, #tpu.memory_space<hbm>>) dst(%arg7 : memref<64xf32, #tpu.memory_space<vmem>>)
    "tpu.region"() ({
      %run_scoped3A = tpu.sem_alloc : memref<!tpu.dma_semaphore, #tpu.memory_space<semaphore_mem>>
      %dma_start3A_115 = tpu.memref_slice %arg4[%mul3A_15] : memref<2560xf32, #tpu.memory_space<hbm>> -> memref<64xf32, #tpu.memory_space<hbm>>
      %dma_start3A_116 = tpu.memref_slice %arg4[%mul3A_15] : memref<2560xf32, #tpu.memory_space<hbm>> -> memref<64xf32, #tpu.memory_space<hbm>>
      tpu.enqueue_dma source(%arg7 : memref<64xf32, #tpu.memory_space<vmem>>) target(%dma_start3A_116 : memref<64xf32, #tpu.memory_space<hbm>>) target_semaphore(%run_scoped3A : memref<!tpu.dma_semaphore, #tpu.memory_space<semaphore_mem>>)
      %dma_wait3A_117 = tpu.memref_slice %arg4[%mul3A_15] : memref<2560xf32, #tpu.memory_space<hbm>> -> memref<64xf32, #tpu.memory_space<hbm>>
      %dma_wait3A_118 = tpu.memref_slice %arg4[%mul3A_15] : memref<2560xf32, #tpu.memory_space<hbm>> -> memref<64xf32, #tpu.memory_space<hbm>>
      tpu.wait_dma2 semaphore(%run_scoped3A : memref<!tpu.dma_semaphore, #tpu.memory_space<semaphore_mem>>) src(%arg7 : memref<64xf32, #tpu.memory_space<vmem>>) dst(%dma_wait3A_118 : memref<64xf32, #tpu.memory_space<hbm>>)
      tpu.yield
    }) : () -> ()
    %broadcast_in_dim3A = arith.constant 0.000000e+00 : f32
    %broadcast_in_dim3A_80 = vector.broadcast %broadcast_in_dim3A : f32 to vector<16xf32>
    %broadcast_in_dim3A_81 = arith.constant 0.000000e+00 : f32
    %broadcast_in_dim3A_82 = vector.broadcast %broadcast_in_dim3A_81 : f32 to vector<16xf32>
    %broadcast_in_dim3A_83 = arith.constant 0.000000e+00 : f32
    %broadcast_in_dim3A_84 = vector.broadcast %broadcast_in_dim3A_83 : f32 to vector<16xf32>
    %broadcast_in_dim3A_85 = arith.constant 0.000000e+00 : f32
    %broadcast_in_dim3A_86 = vector.broadcast %broadcast_in_dim3A_85 : f32 to vector<16xf32>
    %broadcast_in_dim3A_87 = arith.constant 0.000000e+00 : f32
    %broadcast_in_dim3A_88 = vector.broadcast %broadcast_in_dim3A_87 : f32 to vector<16xf32>
    %broadcast_in_dim3A_89 = arith.constant 0.000000e+00 : f32
    %broadcast_in_dim3A_90 = vector.broadcast %broadcast_in_dim3A_89 : f32 to vector<16xf32>
    %broadcast_in_dim3A_91 = arith.constant 0.000000e+00 : f32
    %broadcast_in_dim3A_92 = vector.broadcast %broadcast_in_dim3A_91 : f32 to vector<16xf32>
    %broadcast_in_dim3A_93 = arith.constant 0.000000e+00 : f32
    %broadcast_in_dim3A_94 = vector.broadcast %broadcast_in_dim3A_93 : f32 to vector<16xf32>
    %scan3A = arith.constant 0 : i32
    %scan3A_95 = arith.constant 8 : i32
    %scan3A_96 = arith.addi %scan3A, %scan3A_95 : i32
    %scan3A_97 = arith.constant 1 : i32
    %scan3A_98:8 = scf.for %scan3A_115 = %scan3A to %scan3A_96 step %scan3A_97 iter_args(%scan3A_116 = %broadcast_in_dim3A_80, %scan3A_117 = %broadcast_in_dim3A_82, %scan3A_118 = %broadcast_in_dim3A_84, %scan3A_119 = %broadcast_in_dim3A_86, %scan3A_120 = %broadcast_in_dim3A_88, %scan3A_121 = %broadcast_in_dim3A_90, %scan3A_122 = %broadcast_in_dim3A_92, %scan3A_123 = %broadcast_in_dim3A_94) -> (vector<16xf32>, vector<16xf32>, vector<16xf32>, vector<16xf32>, vector<16xf32>, vector<16xf32>, vector<16xf32>, vector<16xf32>)  : i32 {
      %mul3A_124 = arith.constant 2 : i32
      %mul3A_125 = arith.muli %scan3A_115, %mul3A_124 : i32
      %add3A_126 = arith.constant 0 : i32
      %add3A_127 = arith.addi %mul3A_125, %add3A_126 : i32
      %dma_wait3A_128 = arith.constant 0 : i32
      %dma_wait3A_129 = tpu.memref_slice %arg2[%dma_wait3A_128] : memref<65536000xf32, #tpu.memory_space<hbm>> -> memref<32000xf32, #tpu.memory_space<hbm>>
      %dma_wait3A_130 = arith.constant 0 : i32
      %dma_wait3A_131 = tpu.memref_slice %arg2[%dma_wait3A_130] : memref<65536000xf32, #tpu.memory_space<hbm>> -> memref<32000xf32, #tpu.memory_space<hbm>>
      tpu.wait_dma2 semaphore(%arg12 : memref<!tpu.dma_semaphore, #tpu.memory_space<semaphore_mem>>) src(%dma_wait3A_131 : memref<32000xf32, #tpu.memory_space<hbm>>) dst(%arg8 : memref<32000xf32, #tpu.memory_space<vmem>>)
      %scan3A_132 = arith.constant 0 : i32
      %scan3A_133 = arith.constant 250 : i32
      %scan3A_134 = arith.addi %scan3A_132, %scan3A_133 : i32
      %scan3A_135 = arith.constant 1 : i32
      %scan3A_136:8 = scf.for %scan3A_163 = %scan3A_132 to %scan3A_134 step %scan3A_135 iter_args(%scan3A_164 = %scan3A_116, %scan3A_165 = %scan3A_117, %scan3A_166 = %scan3A_118, %scan3A_167 = %scan3A_119, %scan3A_168 = %scan3A_120, %scan3A_169 = %scan3A_121, %scan3A_170 = %scan3A_122, %scan3A_171 = %scan3A_123) -> (vector<16xf32>, vector<16xf32>, vector<16xf32>, vector<16xf32>, vector<16xf32>, vector<16xf32>, vector<16xf32>, vector<16xf32>)  : i32 {
        %mul3A_172 = arith.constant 128 : i32
        %mul3A_173 = arith.muli %scan3A_163, %mul3A_172 : i32
        %add3A_174 = arith.constant 0 : i32
        %add3A_175 = arith.addi %mul3A_173, %add3A_174 : i32
        %get3A_176 = arith.index_cast %add3A_175 : i32 to index
        %get3A_177 = tpu.vector_load %arg8[%get3A_176] {strides = array<i32>} : memref<32000xf32, #tpu.memory_space<vmem>>, vector<16xf32>,
        %get3A_178 = vector.shape_cast %get3A_177 : vector<16xf32> to vector<16xf32>
        %add3A_179 = arith.addf %scan3A_164, %get3A_178 : vector<16xf32>
        %add3A_180 = arith.constant 16 : i32
        %add3A_181 = arith.addi %mul3A_173, %add3A_180 : i32
        %get3A_182 = arith.index_cast %add3A_181 : i32 to index
        %get3A_183 = tpu.vector_load %arg8[%get3A_182] {strides = array<i32>} : memref<32000xf32, #tpu.memory_space<vmem>>, vector<16xf32>,
        %get3A_184 = vector.shape_cast %get3A_183 : vector<16xf32> to vector<16xf32>
        %add3A_185 = arith.addf %scan3A_165, %get3A_184 : vector<16xf32>
        %add3A_186 = arith.constant 32 : i32
        %add3A_187 = arith.addi %mul3A_173, %add3A_186 : i32
        %get3A_188 = arith.index_cast %add3A_187 : i32 to index
        %get3A_189 = tpu.vector_load %arg8[%get3A_188] {strides = array<i32>} : memref<32000xf32, #tpu.memory_space<vmem>>, vector<16xf32>,
        %get3A_190 = vector.shape_cast %get3A_189 : vector<16xf32> to vector<16xf32>
        %add3A_191 = arith.addf %scan3A_166, %get3A_190 : vector<16xf32>
        %add3A_192 = arith.constant 48 : i32
        %add3A_193 = arith.addi %mul3A_173, %add3A_192 : i32
        %get3A_194 = arith.index_cast %add3A_193 : i32 to index
        %get3A_195 = tpu.vector_load %arg8[%get3A_194] {strides = array<i32>} : memref<32000xf32, #tpu.memory_space<vmem>>, vector<16xf32>,
        %get3A_196 = vector.shape_cast %get3A_195 : vector<16xf32> to vector<16xf32>
        %add3A_197 = arith.addf %scan3A_167, %get3A_196 : vector<16xf32>
        %add3A_198 = arith.constant 64 : i32
        %add3A_199 = arith.addi %mul3A_173, %add3A_198 : i32
        %get3A_200 = arith.index_cast %add3A_199 : i32 to index
        %get3A_201 = tpu.vector_load %arg8[%get3A_200] {strides = array<i32>} : memref<32000xf32, #tpu.memory_space<vmem>>, vector<16xf32>,
        %get3A_202 = vector.shape_cast %get3A_201 : vector<16xf32> to vector<16xf32>
        %add3A_203 = arith.addf %scan3A_168, %get3A_202 : vector<16xf32>
        %add3A_204 = arith.constant 80 : i32
        %add3A_205 = arith.addi %mul3A_173, %add3A_204 : i32
        %get3A_206 = arith.index_cast %add3A_205 : i32 to index
        %get3A_207 = tpu.vector_load %arg8[%get3A_206] {strides = array<i32>} : memref<32000xf32, #tpu.memory_space<vmem>>, vector<16xf32>,
        %get3A_208 = vector.shape_cast %get3A_207 : vector<16xf32> to vector<16xf32>
        %add3A_209 = arith.addf %scan3A_169, %get3A_208 : vector<16xf32>
        %add3A_210 = arith.constant 96 : i32
        %add3A_211 = arith.addi %mul3A_173, %add3A_210 : i32
        %get3A_212 = arith.index_cast %add3A_211 : i32 to index
        %get3A_213 = tpu.vector_load %arg8[%get3A_212] {strides = array<i32>} : memref<32000xf32, #tpu.memory_space<vmem>>, vector<16xf32>,
        %get3A_214 = vector.shape_cast %get3A_213 : vector<16xf32> to vector<16xf32>
        %add3A_215 = arith.addf %scan3A_170, %get3A_214 : vector<16xf32>
        %add3A_216 = arith.constant 112 : i32
        %add3A_217 = arith.addi %mul3A_173, %add3A_216 : i32
        %get3A_218 = arith.index_cast %add3A_217 : i32 to index
        %get3A_219 = tpu.vector_load %arg8[%get3A_218] {strides = array<i32>} : memref<32000xf32, #tpu.memory_space<vmem>>, vector<16xf32>,
        %get3A_220 = vector.shape_cast %get3A_219 : vector<16xf32> to vector<16xf32>
        %add3A_221 = arith.addf %scan3A_171, %get3A_220 : vector<16xf32>
        scf.yield %add3A_179, %add3A_185, %add3A_191, %add3A_197, %add3A_203, %add3A_209, %add3A_215, %add3A_221 : vector<16xf32>, vector<16xf32>, vector<16xf32>, vector<16xf32>, vector<16xf32>, vector<16xf32>, vector<16xf32>, vector<16xf32>
      }
      %scan3A_137 = arith.constant 250 : i32
      %add3A_138 = arith.constant 2 : i32
      %add3A_139 = arith.addi %add3A_127, %add3A_138 : i32
      %lt3A = arith.constant 16 : i32
      %lt3A_140 = arith.cmpi slt, %add3A_139, %lt3A : i32
      %convert_element_type3A = arith.extui %lt3A_140 : i1 to i32
      %cond3A = arith.constant 0 : i32
      %cond3A_141 = arith.cmpi ne, %convert_element_type3A, %cond3A : i32
      scf.if %cond3A_141 {
        %add3A_163 = arith.addi %mul3A_2, %add3A_127 : i32
        %add3A_164 = arith.constant 2 : i32
        %add3A_165 = arith.addi %add3A_163, %add3A_164 : i32
        %mul3A_166 = arith.constant 32000 : i32
        %mul3A_167 = arith.muli %add3A_165, %mul3A_166 : i32
        %dma_start3A_168 = tpu.memref_slice %arg2[%mul3A_167] : memref<65536000xf32, #tpu.memory_space<hbm>> -> memref<32000xf32, #tpu.memory_space<hbm>>
        %dma_start3A_169 = tpu.memref_slice %arg2[%mul3A_167] : memref<65536000xf32, #tpu.memory_space<hbm>> -> memref<32000xf32, #tpu.memory_space<hbm>>
        tpu.enqueue_dma source(%dma_start3A_169 : memref<32000xf32, #tpu.memory_space<hbm>>) target(%arg8 : memref<32000xf32, #tpu.memory_space<vmem>>) target_semaphore(%arg12 : memref<!tpu.dma_semaphore, #tpu.memory_space<semaphore_mem>>)
      } else {
      }
      %mul3A_142 = arith.constant 2 : i32
      %mul3A_143 = arith.muli %scan3A_115, %mul3A_142 : i32
      %add3A_144 = arith.constant 1 : i32
      %add3A_145 = arith.addi %mul3A_143, %add3A_144 : i32
      %dma_wait3A_146 = arith.constant 0 : i32
      %dma_wait3A_147 = tpu.memref_slice %arg2[%dma_wait3A_146] : memref<65536000xf32, #tpu.memory_space<hbm>> -> memref<32000xf32, #tpu.memory_space<hbm>>
      %dma_wait3A_148 = arith.constant 0 : i32
      %dma_wait3A_149 = tpu.memref_slice %arg2[%dma_wait3A_148] : memref<65536000xf32, #tpu.memory_space<hbm>> -> memref<32000xf32, #tpu.memory_space<hbm>>
      tpu.wait_dma2 semaphore(%arg13 : memref<!tpu.dma_semaphore, #tpu.memory_space<semaphore_mem>>) src(%dma_wait3A_149 : memref<32000xf32, #tpu.memory_space<hbm>>) dst(%arg9 : memref<32000xf32, #tpu.memory_space<vmem>>)
      %scan3A_150 = arith.constant 0 : i32
      %scan3A_151 = arith.constant 250 : i32
      %scan3A_152 = arith.addi %scan3A_150, %scan3A_151 : i32
      %scan3A_153 = arith.constant 1 : i32
      %scan3A_154:8 = scf.for %scan3A_163 = %scan3A_150 to %scan3A_152 step %scan3A_153 iter_args(%scan3A_164 = %scan3A_136#0, %scan3A_165 = %scan3A_136#1, %scan3A_166 = %scan3A_136#2, %scan3A_167 = %scan3A_136#3, %scan3A_168 = %scan3A_136#4, %scan3A_169 = %scan3A_136#5, %scan3A_170 = %scan3A_136#6, %scan3A_171 = %scan3A_136#7) -> (vector<16xf32>, vector<16xf32>, vector<16xf32>, vector<16xf32>, vector<16xf32>, vector<16xf32>, vector<16xf32>, vector<16xf32>)  : i32 {
        %mul3A_172 = arith.constant 128 : i32
        %mul3A_173 = arith.muli %scan3A_163, %mul3A_172 : i32
        %add3A_174 = arith.constant 0 : i32
        %add3A_175 = arith.addi %mul3A_173, %add3A_174 : i32
        %get3A_176 = arith.index_cast %add3A_175 : i32 to index
        %get3A_177 = tpu.vector_load %arg9[%get3A_176] {strides = array<i32>} : memref<32000xf32, #tpu.memory_space<vmem>>, vector<16xf32>,
        %get3A_178 = vector.shape_cast %get3A_177 : vector<16xf32> to vector<16xf32>
        %add3A_179 = arith.addf %scan3A_164, %get3A_178 : vector<16xf32>
        %add3A_180 = arith.constant 16 : i32
        %add3A_181 = arith.addi %mul3A_173, %add3A_180 : i32
        %get3A_182 = arith.index_cast %add3A_181 : i32 to index
        %get3A_183 = tpu.vector_load %arg9[%get3A_182] {strides = array<i32>} : memref<32000xf32, #tpu.memory_space<vmem>>, vector<16xf32>,
        %get3A_184 = vector.shape_cast %get3A_183 : vector<16xf32> to vector<16xf32>
        %add3A_185 = arith.addf %scan3A_165, %get3A_184 : vector<16xf32>
        %add3A_186 = arith.constant 32 : i32
        %add3A_187 = arith.addi %mul3A_173, %add3A_186 : i32
        %get3A_188 = arith.index_cast %add3A_187 : i32 to index
        %get3A_189 = tpu.vector_load %arg9[%get3A_188] {strides = array<i32>} : memref<32000xf32, #tpu.memory_space<vmem>>, vector<16xf32>,
        %get3A_190 = vector.shape_cast %get3A_189 : vector<16xf32> to vector<16xf32>
        %add3A_191 = arith.addf %scan3A_166, %get3A_190 : vector<16xf32>
        %add3A_192 = arith.constant 48 : i32
        %add3A_193 = arith.addi %mul3A_173, %add3A_192 : i32
        %get3A_194 = arith.index_cast %add3A_193 : i32 to index
        %get3A_195 = tpu.vector_load %arg9[%get3A_194] {strides = array<i32>} : memref<32000xf32, #tpu.memory_space<vmem>>, vector<16xf32>,
        %get3A_196 = vector.shape_cast %get3A_195 : vector<16xf32> to vector<16xf32>
        %add3A_197 = arith.addf %scan3A_167, %get3A_196 : vector<16xf32>
        %add3A_198 = arith.constant 64 : i32
        %add3A_199 = arith.addi %mul3A_173, %add3A_198 : i32
        %get3A_200 = arith.index_cast %add3A_199 : i32 to index
        %get3A_201 = tpu.vector_load %arg9[%get3A_200] {strides = array<i32>} : memref<32000xf32, #tpu.memory_space<vmem>>, vector<16xf32>,
        %get3A_202 = vector.shape_cast %get3A_201 : vector<16xf32> to vector<16xf32>
        %add3A_203 = arith.addf %scan3A_168, %get3A_202 : vector<16xf32>
        %add3A_204 = arith.constant 80 : i32
        %add3A_205 = arith.addi %mul3A_173, %add3A_204 : i32
        %get3A_206 = arith.index_cast %add3A_205 : i32 to index
        %get3A_207 = tpu.vector_load %arg9[%get3A_206] {strides = array<i32>} : memref<32000xf32, #tpu.memory_space<vmem>>, vector<16xf32>,
        %get3A_208 = vector.shape_cast %get3A_207 : vector<16xf32> to vector<16xf32>
        %add3A_209 = arith.addf %scan3A_169, %get3A_208 : vector<16xf32>
        %add3A_210 = arith.constant 96 : i32
        %add3A_211 = arith.addi %mul3A_173, %add3A_210 : i32
        %get3A_212 = arith.index_cast %add3A_211 : i32 to index
        %get3A_213 = tpu.vector_load %arg9[%get3A_212] {strides = array<i32>} : memref<32000xf32, #tpu.memory_space<vmem>>, vector<16xf32>,
        %get3A_214 = vector.shape_cast %get3A_213 : vector<16xf32> to vector<16xf32>
        %add3A_215 = arith.addf %scan3A_170, %get3A_214 : vector<16xf32>
        %add3A_216 = arith.constant 112 : i32
        %add3A_217 = arith.addi %mul3A_173, %add3A_216 : i32
        %get3A_218 = arith.index_cast %add3A_217 : i32 to index
        %get3A_219 = tpu.vector_load %arg9[%get3A_218] {strides = array<i32>} : memref<32000xf32, #tpu.memory_space<vmem>>, vector<16xf32>,
        %get3A_220 = vector.shape_cast %get3A_219 : vector<16xf32> to vector<16xf32>
        %add3A_221 = arith.addf %scan3A_171, %get3A_220 : vector<16xf32>
        scf.yield %add3A_179, %add3A_185, %add3A_191, %add3A_197, %add3A_203, %add3A_209, %add3A_215, %add3A_221 : vector<16xf32>, vector<16xf32>, vector<16xf32>, vector<16xf32>, vector<16xf32>, vector<16xf32>, vector<16xf32>, vector<16xf32>
      }
      %scan3A_155 = arith.constant 250 : i32
      %add3A_156 = arith.constant 2 : i32
      %add3A_157 = arith.addi %add3A_145, %add3A_156 : i32
      %lt3A_158 = arith.constant 16 : i32
      %lt3A_159 = arith.cmpi slt, %add3A_157, %lt3A_158 : i32
      %convert_element_type3A_160 = arith.extui %lt3A_159 : i1 to i32
      %cond3A_161 = arith.constant 0 : i32
      %cond3A_162 = arith.cmpi ne, %convert_element_type3A_160, %cond3A_161 : i32
      scf.if %cond3A_162 {
        %add3A_163 = arith.addi %mul3A_2, %add3A_145 : i32
        %add3A_164 = arith.constant 2 : i32
        %add3A_165 = arith.addi %add3A_163, %add3A_164 : i32
        %mul3A_166 = arith.constant 32000 : i32
        %mul3A_167 = arith.muli %add3A_165, %mul3A_166 : i32
        %dma_start3A_168 = tpu.memref_slice %arg2[%mul3A_167] : memref<65536000xf32, #tpu.memory_space<hbm>> -> memref<32000xf32, #tpu.memory_space<hbm>>
        %dma_start3A_169 = tpu.memref_slice %arg2[%mul3A_167] : memref<65536000xf32, #tpu.memory_space<hbm>> -> memref<32000xf32, #tpu.memory_space<hbm>>
        tpu.enqueue_dma source(%dma_start3A_169 : memref<32000xf32, #tpu.memory_space<hbm>>) target(%arg9 : memref<32000xf32, #tpu.memory_space<vmem>>) target_semaphore(%arg13 : memref<!tpu.dma_semaphore, #tpu.memory_space<semaphore_mem>>)
      } else {
      }
      scf.yield %scan3A_154#0, %scan3A_154#1, %scan3A_154#2, %scan3A_154#3, %scan3A_154#4, %scan3A_154#5, %scan3A_154#6, %scan3A_154#7 : vector<16xf32>, vector<16xf32>, vector<16xf32>, vector<16xf32>, vector<16xf32>, vector<16xf32>, vector<16xf32>, vector<16xf32>
    }
    %scan3A_99 = arith.constant 8 : i32
    %add3A_100 = arith.addf %scan3A_98#0, %scan3A_98#1 : vector<16xf32>
    %add3A_101 = arith.addf %add3A_100, %scan3A_98#2 : vector<16xf32>
    %add3A_102 = arith.addf %add3A_101, %scan3A_98#3 : vector<16xf32>
    %add3A_103 = arith.addf %add3A_102, %scan3A_98#4 : vector<16xf32>
    %add3A_104 = arith.addf %add3A_103, %scan3A_98#5 : vector<16xf32>
    %add3A_105 = arith.addf %add3A_104, %scan3A_98#6 : vector<16xf32>
    %add3A_106 = arith.addf %add3A_105, %scan3A_98#7 : vector<16xf32>
    %swap3A_107 = arith.constant 0 : index
    %swap3A_108 = tpu.vector_load %arg10[%swap3A_107] {strides = array<i32>} : memref<16xf32, #tpu.memory_space<vmem>>, vector<16xf32>,
    %swap3A_109 = vector.shape_cast %swap3A_108 : vector<16xf32> to vector<16xf32>
    %swap3A_110 = vector.shape_cast %add3A_106 : vector<16xf32> to vector<16xf32>
    tpu.vector_store %arg10[%swap3A_107], %swap3A_110 {strides = array<i32>} : memref<16xf32, #tpu.memory_space<vmem>>, vector<16xf32>,
    %mul3A_111 = arith.constant 16 : i32
    %mul3A_112 = arith.muli %add3A, %mul3A_111 : i32
    %add3A_113 = arith.constant 2048 : i32
    %add3A_114 = arith.addi %add3A_113, %mul3A_112 : i32
    "tpu.region"() ({
      %run_scoped3A = tpu.sem_alloc : memref<!tpu.dma_semaphore, #tpu.memory_space<semaphore_mem>>
      %dma_start3A_115 = tpu.memref_slice %arg4[%add3A_114] : memref<2560xf32, #tpu.memory_space<hbm>> -> memref<16xf32, #tpu.memory_space<hbm>>
      %dma_start3A_116 = tpu.memref_slice %arg4[%add3A_114] : memref<2560xf32, #tpu.memory_space<hbm>> -> memref<16xf32, #tpu.memory_space<hbm>>
      tpu.enqueue_dma source(%arg10 : memref<16xf32, #tpu.memory_space<vmem>>) target(%dma_start3A_116 : memref<16xf32, #tpu.memory_space<hbm>>) target_semaphore(%run_scoped3A : memref<!tpu.dma_semaphore, #tpu.memory_space<semaphore_mem>>)
      %dma_wait3A_117 = tpu.memref_slice %arg4[%add3A_114] : memref<2560xf32, #tpu.memory_space<hbm>> -> memref<16xf32, #tpu.memory_space<hbm>>
      %dma_wait3A_118 = tpu.memref_slice %arg4[%add3A_114] : memref<2560xf32, #tpu.memory_space<hbm>> -> memref<16xf32, #tpu.memory_space<hbm>>
      tpu.wait_dma2 semaphore(%run_scoped3A : memref<!tpu.dma_semaphore, #tpu.memory_space<semaphore_mem>>) src(%arg10 : memref<16xf32, #tpu.memory_space<vmem>>) dst(%dma_wait3A_118 : memref<16xf32, #tpu.memory_space<hbm>>)
      tpu.yield
    }) : () -> ()
    return
  }
}

module attributes {stable_mosaic.version = 14 : i64} {
  func.func @_combine_body(%arg0: memref<20x128xf32, #tpu.memory_space<vmem>>, %arg1: memref<1x1xf32, #tpu.memory_space<smem>>, %arg2: memref<1x1xf32, #tpu.memory_space<smem>>) attributes {dimension_semantics = [], scalar_prefetch = 0 : i64, scratch_operands = 0 : i64, tpu.core_type = #tpu.core_type<tc>} {
    %get3A = arith.constant 0 : index
    %get3A_0 = arith.constant 0 : index
    %get3A_1 = vector.load %arg0[%get3A, %get3A_0] : memref<20x128xf32, #tpu.memory_space<vmem>>, vector<16x128xf32>
    %reduce_sum3A = vector.shape_cast %get3A_1 : vector<16x128xf32> to vector<1x16x128xf32>
    %reduce_sum3A_2 = arith.constant dense<0.000000e+00> : vector<1xf32>
    %reduce_sum3A_3 = vector.multi_reduction <add>, %reduce_sum3A, %reduce_sum3A_2 [1, 2] : vector<1x16x128xf32> to vector<1xf32>
    %reduce_sum3A_4 = vector.shape_cast %reduce_sum3A_3 : vector<1xf32> to vector<1x1x1xf32>
    %reduce_sum3A_5 = vector.extract %reduce_sum3A_4[0, 0, 0] : f32 from vector<1x1x1xf32>
    %get3A_6 = arith.constant 16 : index
    %get3A_7 = arith.constant 0 : index
    %get3A_8 = vector.load %arg0[%get3A_6, %get3A_7] : memref<20x128xf32, #tpu.memory_space<vmem>>, vector<4x128xf32>
    %reduce_sum3A_9 = vector.shape_cast %get3A_8 : vector<4x128xf32> to vector<1x4x128xf32>
    %reduce_sum3A_10 = arith.constant dense<0.000000e+00> : vector<1xf32>
    %reduce_sum3A_11 = vector.multi_reduction <add>, %reduce_sum3A_9, %reduce_sum3A_10 [1, 2] : vector<1x4x128xf32> to vector<1xf32>
    %reduce_sum3A_12 = vector.shape_cast %reduce_sum3A_11 : vector<1xf32> to vector<1x1x1xf32>
    %reduce_sum3A_13 = vector.extract %reduce_sum3A_12[0, 0, 0] : f32 from vector<1x1x1xf32>
    %get3A_14 = arith.constant 0 : index
    %get3A_15 = arith.constant 0 : index
    %get3A_16 = memref.load %arg1[%get3A_14, %get3A_15] : memref<1x1xf32, #tpu.memory_space<smem>>
    %add3A = arith.addf %reduce_sum3A_13, %get3A_16 : f32
    %div3A = arith.constant 2.048000e+03 : f32
    %div3A_17 = arith.divf %add3A, %div3A : f32
    %mul3A = arith.constant 3.12509769E-6 : f32
    %mul3A_18 = arith.mulf %mul3A, %div3A_17 : f32
    %sub3A = arith.constant -1.36242902 : f32
    %sub3A_19 = arith.subf %sub3A, %mul3A_18 : f32
    %div3A_20 = arith.constant 2.048000e+03 : f32
    %div3A_21 = arith.divf %reduce_sum3A_5, %div3A_20 : f32
    %mul3A_22 = arith.constant -0.899996876 : f32
    %mul3A_23 = arith.mulf %mul3A_22, %div3A_21 : f32
    %add3A_24 = arith.addf %sub3A_19, %mul3A_23 : f32
    %swap3A = arith.constant 0 : index
    %swap3A_25 = arith.constant 0 : index
    %swap3A_26 = memref.load %arg2[%swap3A, %swap3A_25] : memref<1x1xf32, #tpu.memory_space<smem>>
    memref.store %add3A_24, %arg2[%swap3A, %swap3A_25] : memref<1x1xf32, #tpu.memory_space<smem>>
    return
  }
}

module attributes {stable_mosaic.version = 14 : i64} {
  func.func @_tc_sum_body(%arg0: i32, %arg1: memref<32x32000xf32, #tpu.memory_space<vmem>>, %arg2: memref<32x32000xf32, #tpu.memory_space<vmem>>, %arg3: memref<32x32000xf32, #tpu.memory_space<vmem>>, %arg4: memref<32x32000xf32, #tpu.memory_space<vmem>>, %arg5: memref<1x1xf32, #tpu.memory_space<smem>>, %arg6: memref<1xf32, #tpu.memory_space<smem>>) attributes {dimension_semantics = [#tpu.dimension_semantics<arbitrary>], iteration_bounds = array<i64: 12>, scalar_prefetch = 0 : i64, scratch_operands = 1 : i64, tpu.core_type = #tpu.core_type<tc>, window_params = [{transform_indices = @transform_0, window_bounds = array<i64: 32, 32000>}, {transform_indices = @transform_1, window_bounds = array<i64: 32, 32000>}, {transform_indices = @transform_2, window_bounds = array<i64: 32, 32000>}, {transform_indices = @transform_3, window_bounds = array<i64: 32, 32000>}, {transform_indices = @transform_4, window_bounds = array<i64: 1, 1>}]} {
    %eq3A = arith.constant 0 : i32
    %eq3A_0 = arith.cmpi eq, %arg0, %eq3A : i32
    %convert_element_type3A = arith.extui %eq3A_0 : i1 to i32
    %cond3A = arith.constant 0 : i32
    %cond3A_1 = arith.cmpi ne, %convert_element_type3A, %cond3A : i32
    scf.if %cond3A_1 {
      %swap3A_43 = arith.constant 0.000000e+00 : f32
      %swap3A_44 = arith.constant 0 : index
      %swap3A_45 = memref.load %arg6[%swap3A_44] : memref<1xf32, #tpu.memory_space<smem>>
      memref.store %swap3A_43, %arg6[%swap3A_44] : memref<1xf32, #tpu.memory_space<smem>>
    } else {
    }
    %get3A = arith.constant 0 : index
    %get3A_2 = arith.constant 0 : index
    %get3A_3 = vector.load %arg1[%get3A, %get3A_2] : memref<32x32000xf32, #tpu.memory_space<vmem>>, vector<32x32000xf32>
    %reduce_sum3A = vector.shape_cast %get3A_3 : vector<32x32000xf32> to vector<1x32x32000xf32>
    %reduce_sum3A_4 = arith.constant dense<0.000000e+00> : vector<1xf32>
    %reduce_sum3A_5 = vector.multi_reduction <add>, %reduce_sum3A, %reduce_sum3A_4 [1, 2] : vector<1x32x32000xf32> to vector<1xf32>
    %reduce_sum3A_6 = vector.shape_cast %reduce_sum3A_5 : vector<1xf32> to vector<1x1x1xf32>
    %reduce_sum3A_7 = vector.extract %reduce_sum3A_6[0, 0, 0] : f32 from vector<1x1x1xf32>
    %get3A_8 = arith.constant 0 : index
    %get3A_9 = arith.constant 0 : index
    %get3A_10 = vector.load %arg2[%get3A_8, %get3A_9] : memref<32x32000xf32, #tpu.memory_space<vmem>>, vector<32x32000xf32>
    %reduce_sum3A_11 = vector.shape_cast %get3A_10 : vector<32x32000xf32> to vector<1x32x32000xf32>
    %reduce_sum3A_12 = arith.constant dense<0.000000e+00> : vector<1xf32>
    %reduce_sum3A_13 = vector.multi_reduction <add>, %reduce_sum3A_11, %reduce_sum3A_12 [1, 2] : vector<1x32x32000xf32> to vector<1xf32>
    %reduce_sum3A_14 = vector.shape_cast %reduce_sum3A_13 : vector<1xf32> to vector<1x1x1xf32>
    %reduce_sum3A_15 = vector.extract %reduce_sum3A_14[0, 0, 0] : f32 from vector<1x1x1xf32>
    %add3A = arith.addf %reduce_sum3A_7, %reduce_sum3A_15 : f32
    %get3A_16 = arith.constant 0 : index
    %get3A_17 = arith.constant 0 : index
    %get3A_18 = vector.load %arg3[%get3A_16, %get3A_17] : memref<32x32000xf32, #tpu.memory_space<vmem>>, vector<32x32000xf32>
    %reduce_sum3A_19 = vector.shape_cast %get3A_18 : vector<32x32000xf32> to vector<1x32x32000xf32>
    %reduce_sum3A_20 = arith.constant dense<0.000000e+00> : vector<1xf32>
    %reduce_sum3A_21 = vector.multi_reduction <add>, %reduce_sum3A_19, %reduce_sum3A_20 [1, 2] : vector<1x32x32000xf32> to vector<1xf32>
    %reduce_sum3A_22 = vector.shape_cast %reduce_sum3A_21 : vector<1xf32> to vector<1x1x1xf32>
    %reduce_sum3A_23 = vector.extract %reduce_sum3A_22[0, 0, 0] : f32 from vector<1x1x1xf32>
    %add3A_24 = arith.addf %add3A, %reduce_sum3A_23 : f32
    %get3A_25 = arith.constant 0 : index
    %get3A_26 = arith.constant 0 : index
    %get3A_27 = vector.load %arg4[%get3A_25, %get3A_26] : memref<32x32000xf32, #tpu.memory_space<vmem>>, vector<32x32000xf32>
    %reduce_sum3A_28 = vector.shape_cast %get3A_27 : vector<32x32000xf32> to vector<1x32x32000xf32>
    %reduce_sum3A_29 = arith.constant dense<0.000000e+00> : vector<1xf32>
    %reduce_sum3A_30 = vector.multi_reduction <add>, %reduce_sum3A_28, %reduce_sum3A_29 [1, 2] : vector<1x32x32000xf32> to vector<1xf32>
    %reduce_sum3A_31 = vector.shape_cast %reduce_sum3A_30 : vector<1xf32> to vector<1x1x1xf32>
    %reduce_sum3A_32 = vector.extract %reduce_sum3A_31[0, 0, 0] : f32 from vector<1x1x1xf32>
    %add3A_33 = arith.addf %add3A_24, %reduce_sum3A_32 : f32
    %get3A_34 = arith.constant 0 : index
    %get3A_35 = memref.load %arg6[%get3A_34] : memref<1xf32, #tpu.memory_space<smem>>
    %add3A_36 = arith.addf %get3A_35, %add3A_33 : f32
    %swap3A = arith.constant 0 : index
    %swap3A_37 = memref.load %arg6[%swap3A] : memref<1xf32, #tpu.memory_space<smem>>
    memref.store %add3A_36, %arg6[%swap3A] : memref<1xf32, #tpu.memory_space<smem>>
    %eq3A_38 = arith.constant 11 : i32
    %eq3A_39 = arith.cmpi eq, %arg0, %eq3A_38 : i32
    %convert_element_type3A_40 = arith.extui %eq3A_39 : i1 to i32
    %cond3A_41 = arith.constant 0 : i32
    %cond3A_42 = arith.cmpi ne, %convert_element_type3A_40, %cond3A_41 : i32
    scf.if %cond3A_42 {
      %get3A_43 = arith.constant 0 : index
      %get3A_44 = memref.load %arg6[%get3A_43] : memref<1xf32, #tpu.memory_space<smem>>
      %swap3A_45 = arith.constant 0 : index
      %swap3A_46 = arith.constant 0 : index
      %swap3A_47 = memref.load %arg5[%swap3A_45, %swap3A_46] : memref<1x1xf32, #tpu.memory_space<smem>>
      memref.store %get3A_44, %arg5[%swap3A_45, %swap3A_46] : memref<1x1xf32, #tpu.memory_space<smem>>
    } else {
    }
    return
  }
  func.func @transform_0(%arg0: i32) -> (i32, i32) {
    %add3A = arith.constant 16 : i32
    %add3A_0 = arith.addi %add3A, %arg0 : i32
    %c0_i32 = arith.constant 0 : i32
    %c0_i32_1 = arith.constant 0 : i32
    return %add3A_0, %c0_i32 : i32, i32
  }
  func.func @transform_1(%arg0: i32) -> (i32, i32) {
    %add3A = arith.constant 28 : i32
    %add3A_0 = arith.addi %add3A, %arg0 : i32
    %c0_i32 = arith.constant 0 : i32
    %c0_i32_1 = arith.constant 0 : i32
    return %add3A_0, %c0_i32 : i32, i32
  }
  func.func @transform_2(%arg0: i32) -> (i32, i32) {
    %add3A = arith.constant 40 : i32
    %add3A_0 = arith.addi %add3A, %arg0 : i32
    %c0_i32 = arith.constant 0 : i32
    %c0_i32_1 = arith.constant 0 : i32
    return %add3A_0, %c0_i32 : i32, i32
  }
  func.func @transform_3(%arg0: i32) -> (i32, i32) {
    %add3A = arith.constant 52 : i32
    %add3A_0 = arith.addi %add3A, %arg0 : i32
    %c0_i32 = arith.constant 0 : i32
    %c0_i32_1 = arith.constant 0 : i32
    return %add3A_0, %c0_i32 : i32, i32
  }
  func.func @transform_4(%arg0: i32) -> (i32, i32) {
    %c0_i32 = arith.constant 0 : i32
    %c0_i32_0 = arith.constant 0 : i32
    %c0_i32_1 = arith.constant 0 : i32
    return %c0_i32, %c0_i32_0 : i32, i32
  }
}

</mosaic_0001>

<sc_bundles>
// kernel: kernel.5.cloned.1.call-start
scs
__scs_entry_jumppad:
0x0: {  	(pc) =	sbr.rel $0x88, $3  }
0x1: {  	(tag) =	ssettag $0x0;
	lr =	simm.s32 $0x1  }
0x2: {  	[smem:$0x3F9F] =	sst lr;
	_ =	strace $0xD0000000  }
0x3: {  	_ = 	snop  }
0x4: {  	_ = 	snop  }
0x5: {  	_ = 	snop  }
0x6: {  	_ = 	snop  }
0x7: {  	_ = 	snop  }
__scs_overlays_trampoline_lowered:
0x8: {  	[smem:$0x3FAE] =	sst s0  }
0x9: {  	[smem:$0x3FAF] =	sst s1  }
0xa: {  	[smem:$0x3FB0] =	sst s2  }
0xb: {  	[smem:$0x3FB1] =	sst s3  }
0xc: {  	[smem:$0x3FB2] =	sst s4  }
0xd: {  	[smem:$0x3FB3] =	sst s5  }
0xe: {  	[smem:$0x3FB4] =	sst s6  }
0xf: {  	[smem:$0x3FB5] =	sst s7  }
0x10: {  	[smem:$0x3FB6] =	sst s8  }
0x11: {  	[smem:$0x3FB7] =	sst s9;
	s0 =	simm.s32 @!p0 $0x0  }
0x12: {  	s1 =	sld [smem:$0x3F9D];
	s0 =	simm.s32 @p0 $0x1  }
0x13: {  	[smem:$0x3FB8] =	sst s0;
	s0 =	simm.s32 @!p1 $0x0  }
0x14: {  	s2 =	sld [smem:$0x3F9C];
	s0 =	simm.s32 @p1 $0x1  }
0x15: {  	[smem:$0x3FB9] =	sst s0;
	s0 =	simm.s32 @!p2 $0x0  }
0x16: {  	s3 =	sld [smem:$0x3FDB];
	s0 =	simm.s32 @p2 $0x1  }
0x17: {  	s4 =	simm.s32 $0x1BF5;
	[smem:$0x3FBB] =	sst s0  }
0x18: {  	s0 =	sld [smem:$0x3F9E];
	_ =	swait.ge [sflag:s4], $0x0  }
0x19: {  	s7 =	sld [smem:$0x3F9F]  }
0x1a: {  	s8 =	sadd.s32 $0xFFFFE003, lr  }
0x1b: {  	s9 =	sadd.s32 $0xFFFFFEF7, lr;
	s5 =	simm.s32 $0xFFFFFFFF;
	p2 =	slt.u32 s8, $0xFFFFF086  }
0x1c: {  	p1 =	slt.u32 s9, $0xF7A;
	s5 =	simm.s32 @!p2 $0x0  }
0x1d: {  	s5 =	simm.s32 @p1 $0x1;
	p0 =	seq.s32 s7, s2  }
0x1e: {  	s7 =	smul.u32 @!p0 $0xF7A, s2;
	p2 =	seq.s32 @!p0 s5, $0x0  }
0x1f: {  	s9 =	smul.u32 $0xF7A, s1;
	s8 =	simm.s32 @!p0 $0x1BF5;
	p2 =	por !p2, p0  }
0x20: {  	[sflag:s8] =	ssyncset.s32 @!p0 $0xFFFFF086;
	s6 =	sadd.s32 @!p0 s3, s7;
	s7 =	simm.s32 @!p0 $0x108  }
0x21: {  	s3 =	sadd.s32 s3, s9;
	s6 =	sadd.s32 @!p0 $0x88, s6;
	s7 =	simm.s32 @p2 $0x1082  }
0x22: {  	[simem:s7], [sflag:s8] =	dma.local @!p0 [hbm:s6], $0xF7A  }
0x23: {  	s9 =	sor.u32 $0xD0000000, s2;
	s6 =	simm.s32 $0x108;
	_ =	swait.ge @!p0 [sflag:s8], $0x0  }
0x24: {  	s3 =	sadd.s32 $0x88, s3;
	s6 =	simm.s32 @!p1 $0x1082;
	[sflag:s4] =	ssyncset.s32 $0xFFFFF086  }
0x25: {  	[simem:s6], [sflag:s4] =	dma.local [hbm:s3], $0xF7A  }
0x26: {  	[smem:$0x3F9F] =	sst s1;
	(tag) =	ssettag s2;
	_ =	strace s9  }
0x27: {  	s1 =	sld [smem:$0x3FAF]  }
0x28: {  	s2 =	sld [smem:$0x3FB0]  }
0x29: {  	s4 =	sld [smem:$0x3FB2]  }
0x2a: {  	p0 =	seq.s32 s5, $0x0;
	s5 =	sld [smem:$0x3FB3]  }
0x2b: {  	s6 =	sld [smem:$0x3FB4]  }
0x2c: {  	s7 =	sld [smem:$0x3FB5]  }
0x2d: {  	s3 =	simm.s32 $0x108;
	s8 =	sld [smem:$0x3FB6]  }
0x2e: {  	s3 =	simm.s32 @!p0 $0x1082;
	s9 =	sld [smem:$0x3FB7]  }
0x2f: {  	lr =	sadd.s32 s0, s3;
	s0 =	sld [smem:$0x3FAE]  }
0x30: {  	s3 =	sld [smem:$0x3FB1]  }
0x31: {  	[smem:$0x3FBA] =	sst s10  }
0x32: {  	s10 =	sld [smem:$0x3FB8];
	_ =	sdelay $0x3  }
0x33: {  	p0 =	seq.s32 s10, $0x1;
	s10 =	sld [smem:$0x3FBA];
	_ =	sdelay $0x3  }
0x34: {  	[smem:$0x3FBA] =	sst s10  }
0x35: {  	s10 =	sld [smem:$0x3FB9];
	_ =	sdelay $0x3  }
0x36: {  	p1 =	seq.s32 s10, $0x1;
	s10 =	sld [smem:$0x3FBA];
	_ =	sdelay $0x3  }
0x37: {  	[smem:$0x3FBA] =	sst s10  }
0x38: {  	s10 =	sld [smem:$0x3FBB]  }
0x39: {  	_ = 	snop;
	(pc) =	sbr.ind lr, $3  }
0x3a: {  	_ = 	snop  }
0x3b: {  	_ = 	snop  }
0x3c: {  	p2 =	seq.s32 s10, $0x1;
	s10 =	sld [smem:$0x3FBA]  }
0x3d: {  	_ =	shalt  }
0x3e: {  	_ =	shalt  }
0x3f: {  	_ =	shalt  }
0x40: {  	_ =	shalt  }
0x41: {  	_ =	shalt  }
0x42: {  	_ =	shalt  }
0x43: {  	_ =	shalt  }
0x44: {  	_ =	shalt  }
0x45: {  	_ =	shalt  }
0x46: {  	_ =	shalt  }
0x47: {  	_ =	shalt  }
0x48: {  	_ =	shalt  }
0x49: {  	_ =	shalt  }
0x4a: {  	_ =	shalt  }
0x4b: {  	_ =	shalt  }
0x4c: {  	_ =	shalt  }
0x4d: {  	_ =	shalt  }
0x4e: {  	_ =	shalt  }
0x4f: {  	_ =	shalt  }
0x50: {  	_ =	shalt  }
0x51: {  	_ =	shalt  }
0x52: {  	_ =	shalt  }
0x53: {  	_ =	shalt  }
0x54: {  	_ =	shalt  }
0x55: {  	_ =	shalt  }
0x56: {  	_ =	shalt  }
0x57: {  	_ =	shalt  }
0x58: {  	_ =	shalt  }
0x59: {  	_ =	shalt  }
0x5a: {  	_ =	shalt  }
0x5b: {  	_ =	shalt  }
0x5c: {  	_ =	shalt  }
0x5d: {  	_ =	shalt  }
0x5e: {  	_ =	shalt  }
0x5f: {  	_ =	shalt  }
0x60: {  	_ =	shalt  }
0x61: {  	_ =	shalt  }
0x62: {  	_ =	shalt  }
0x63: {  	_ =	shalt  }
0x64: {  	_ =	shalt  }
0x65: {  	_ =	shalt  }
0x66: {  	_ =	shalt  }
0x67: {  	_ =	shalt  }
0x68: {  	_ =	shalt  }
0x69: {  	_ =	shalt  }
0x6a: {  	_ =	shalt  }
0x6b: {  	_ =	shalt  }
0x6c: {  	_ =	shalt  }
0x6d: {  	_ =	shalt  }
0x6e: {  	_ =	shalt  }
0x6f: {  	_ =	shalt  }
0x70: {  	_ =	shalt  }
0x71: {  	_ =	shalt  }
0x72: {  	_ =	shalt  }
0x73: {  	_ =	shalt  }
0x74: {  	_ =	shalt  }
0x75: {  	_ =	shalt  }
0x76: {  	_ =	shalt  }
0x77: {  	_ =	shalt  }
0x78: {  	_ =	shalt  }
0x79: {  	_ =	shalt  }
0x7a: {  	_ =	shalt  }
0x7b: {  	_ =	shalt  }
0x7c: {  	_ =	shalt  }
0x7d: {  	_ =	shalt  }
0x7e: {  	_ =	shalt  }
0x7f: {  	_ =	shalt  }
0x80: {  	_ =	shalt  }
0x81: {  	_ =	shalt  }
0x82: {  	_ =	shalt  }
0x83: {  	_ =	shalt  }
0x84: {  	_ =	shalt  }
0x85: {  	_ =	shalt  }
0x86: {  	_ =	shalt  }
0x87: {  	_ =	shalt  }
.Lfunc_end0:
.L_simem_size_0:
called_computation_lowered:
.L_overlay_start_0:
0x88: {  	s2 =	sld [smem:$0x3FD9]  }
0x89: {  	s3 =	sld [smem:$0x3FFE];
	_ =	sdelay $0x1  }
0x8a: {  	s1 =	srdreg.scid  }
0x8b: {  	s0 =	sand.u32 $0x1, s1  }
0x8c: {  	s17 =	sshll.u32 s0, $0xA;
	s2 =	sadd.s32 s3, s2  }
0x8d: {  	s2 =	sadd.s32 s2, s17  }
0x8e: {  	[smem:$0x3FC6] =	sst s2  }
0x8f: {  	_ = 	snop  }
0x90: {  	s2 =	sld [smem:$0x3FC8];
	(tm) =	ssettm $0x1  }
0x91: {  	s18 =	sld [smem:$0x3FFB];
	_ =	sdelay $0x3  }
0x92: {  	_ =	strace s18  }
0x93: {  	s3 =	sld [smem:$0x3FFC];
	_ =	sdelay $0x3  }
0x94: {  	_ =	strace s3  }
0x95: {  	s3 =	sld [smem:$0x3FFD];
	_ =	sdelay $0x3  }
0x96: {  	_ =	strace s3  }
0x97: {  	_ =	strace $0x8FFFFFFF  }
0x98: {  	s19 =	sld [smem:$0x3FDB];
	_ =	sdelay $0x1  }
0x99: {  	s4 =	simm.s32 $_scs_section_size  }
0x9a: {  	s5 =	simm.s32 $_size__tile_overlayer_lowered;
	s6 =	simm.s32 $_tile_overlayer_lowered  }
0x9b: {  	s22 =	simm.s32 $0x1BFF;
	s21 =	sshll.u32 s6, $0x1;
	s3 =	sadd.s32 s4, s19  }
0x9c: {  	s7 =	simm.s32 $0x0;
	s20 =	sshll.u32 s5, $0x1;
	s5 =	sadd.s32 s21, s3  }
0x9d: {  	[timem:s7], [sflag:s22] =	dma.local [hbm:s5], s20  }
0x9e: {  	_ =	swait.ge [sflag:s22], s20  }
0x9f: {  	s4 =	ssub.s32 $0x0, s20;
	[sflag:s22] =	ssyncset.done $0x0  }
0xa0: {  	[sflag:s22] =	ssyncadd.s32 s4;
	_ =	sdelay $0x1  }
0xa1: {  	s23 =	simm.s32 $0x1B8B  }
0xa2: {  	_ =	swait.ge [sflag:s23], $0x1  }
0xa3: {  	[sflag:s23] =	ssyncset.done $0x0  }
0xa4: {  	s25 =	simm.s32 $0x1B8E;
	s24 =	sld [smem:$0x3FFE];
	[sflag:s23] =	ssyncadd.s32 $0xFFFFFFFF  }
0xa5: {  	s26 =	simm.s32 $execute0_lowered;
	[smem:$0x3FD2] =	sst s25  }
0xa6: {  	s5 =	sshll.u32 s26, $0x1;
	_ =	strace $0x80000046;
	[dreg:$0x1] =	wrdreg $0xFFFFFFFF  }
0xa7: {  	s28 =	simm.s32 $_size_execute0_lowered;
	s3 =	sadd.s32 s3, s5;
	[dreg:$0x0] =	wrdreg $0x0  }
0xa8: {  	s5 =	sshll.u32 s28, $0x1;
	[dreg:$0x2] =	wrdreg s3  }
0xa9: {  	[dreg:$0x3] =	wrdreg s5  }
0xaa: {  	[dreg:$0x4] =	wrdreg $0xC0  }
0xab: {  	_ =	task [dreg:s7], $0x5FFFF  }
0xac: {  	[dreg:$0x1] =	wrdreg $0xFFFFFFFF  }
0xad: {  	[dreg:$0x0] =	wrdreg $0x60  }
0xae: {  	[dreg:$0x2] =	wrdreg s24  }
0xaf: {  	[dreg:$0x3] =	wrdreg s2  }
0xb0: {  	[dreg:$0x4] =	wrdreg $0x9  }
0xb1: {  	_ =	task.clear_ibuf [dreg:s7], $0x5FFFF;
	_ =	strace $0x90000046  }
0xb2: {  	s29 =	simm.s32 $0x9;
	_ =	strace $0x80000048  }
0xb3: {  	_ =	swait.ge [sflag:s29], $0x1  }
0xb4: {  	[sflag:s29] =	ssyncadd.s32 $0xFFFFFFFF  }
0xb5: {  	_ =	strace $0x90000048  }
0xb6: {  	_ =	sfence  }
0xb7: {  	s30 =	sld [smem:$0x0];
	_ =	sdelay $0x2  }
0xb8: {  	s31 =	sshll.u32 s1, $0xD;
	s1 =	sshrl.u32 s1, $0x2  }
0xb9: {  	s3 =	sand.u32 $0x4000, s31;
	s1 =	sadd.s32 s1, s30  }
0xba: {  	s0 =	sor.u32 s3, s0;
	s1 =	sshll.u32 s1, $0x11  }
0xbb: {  	s0 =	sor.u32 s1, s0  }
0xbc: {  	s0 =	sadd.s32 $0x8F2B, s0  }
0xbd: {  	[sflag:s0] =	ssyncadd.remote.s32 $0x1  }
0xbe: {  	_ =	sfence.sel $0xFFFF  }
0xbf: {  	[dreg:$0x0] =	wrdreg $0xFFFFFFFF;
	(pc) =	sbr.abs _section_cstart, $3  }
0xc0: {  	[dreg:$0x1] =	wrdreg $0xFFFFFFFF  }
0xc1: {  	_ =	task.clear_ibuf [dreg:s7], $0x2FFFF;
	_ =	strace $0x9FFFFFFF  }
0xc2: {  	(tm) =	ssettm $0x7FFFFFFF  }
0xc3: {  	_ =	shalt  }
tec
execute0_lowered:
.L_overlay_start_1:
0x0: {  	(tag) =	ssettag $0x1  }
0x1: {  	s4 =	rddreg [dreg:$0x0]  }
0x2: {  	s7 =	rddreg [dreg:$0x1]  }
0x3: {  	s0 =	rddreg [dreg:$0x2];
	s2 =	simm.s32 $0x0  }
0x4: {  	s3 =	srdreg.scid;
	s1 =	stileid.u32;
	s14 =	simm.s32 $0x40  }
0x5: {  	s15 =	simm.s32 $0x80;
	s16 =	simm.s32 $0x100;
	s17 =	simm.s32 $0x1  }
0x6: {  	s18 =	simm.s32 $0x2;
	s19 =	simm.s32 $0x3;
	s20 =	simm.s32 $0xFB80  }
0x7: {  	s21 =	simm.s32 $0x0;
	s3 =	sand.u32 $0x1, s3;
	s5 =	sshll.u32 s1, $0x1  }
0x8: {  	[smem:$0x7FF] =	sst s2;
	s10 =	sadd.s32 $0x7D0600, s4;
	s8 =	sor.u32 s3, s5  }
0x9: {  	_ =	strace $0x80000047;
	s9 =	smul.u32 $0x7D000, s8;
	s29 =	sshll.u32 s8, $0x6  }
0xa: {  	s6 =	ssub.s32 $0x2, s3;
	s3 =	sadd.s32 $0x600, s4;
	v0 =	vmov s29;
	s12 =	sor.u32 $0x10, s29  }
0xb: {  	s30 =	sor.u32 $0x20, s29;
	s28 =	sshrl.u32 s9, $0x3;
	v0 =	vmul.u32 $0x7D00, v0;
	v1 =	vmov s12;
	s9 =	sor.u32 $0x30, s29  }
0xc: {  	s25 =	sshrl.u32 s6, $0x1;
	s26 =	smul.u32 $0xFA00, s8;
	s4 =	sshll.u32 s8, $0x4;
	v2 =	vmov s30;
	v1 =	vmul.u32 $0x7D00, v1;
	v3 =	vmov s9  }
.Ltmp0:
0xd: {  	v4 =	vlaneseq.u32;
	s13 =	sshll.u32 s8, $0x1;
	s8 =	sshll.u32 s8, $0x3;
	v2 =	vmul.u32 $0x7D00, v2;
	v3 =	vmul.u32 $0x7D00, v3;
	(pc) =	sbr.rel .LBB2_1-.Ltmp0, $4  }
0xe: {  	v4 =	vmul.u32 $0x7D00, v4;
	s11 =	ssub.s32 s6, s25;
	s31 =	sadd.s32 s13, s10;
	s7 =	sadd.s32 s7, s8;
	v0 =	vbroadcast v0, $0x0;
	v1 =	vbroadcast v1, $0x0  }
0xf: {  	s8 =	sadd.s32 s10, s8;
	s13 =	simm.s32 $0x4;
	s5 =	sadd.s32 s3, s26;
	v2 =	vbroadcast v2, $0x0;
	v3 =	vbroadcast v3, $0x0  }
0x10: {  	s10 =	smax.u32 s11, $0x1;
	s11 =	simm.s32 $0x180;
	s6 =	sadd.s32 s3, s28;
	v0 =	vadd.s32 v4, v0  }
0x11: {  	s12 =	simm.s32 $0x7E80;
	s9 =	sadd.s32 $0x100, s31;
	s6 =	sadd.s32 $0xFA0, s6;
	v1 =	vadd.s32 v4, v1;
	v2 =	vadd.s32 v4, v2;
	v3 =	vadd.s32 v4, v3  }
.LBB2_8:
0x12: {  	v10 =	vadd.f32 v11, v10;
	_ =	sdelay $0x1  }
0x13: {  	v8 =	vadd.f32 v8, v10;
	_ =	sdelay $0x1  }
0x14: {  	v7 =	vadd.f32 v7, v8;
	_ =	sdelay $0x1  }
0x15: {  	v6 =	vadd.f32 v6, v7;
	_ =	sdelay $0x1  }
0x16: {  	v5 =	vadd.f32 v5, v6;
	_ =	sdelay $0x1  }
0x17: {  	v4 =	vadd.f32 v4, v5;
	_ =	sdelay $0x1  }
0x18: {  	s21 =	sadd.s32 $0x1, s21;
	v4 =	vadd.f32 v9, v4  }
0x19: {  	p0 =	sne.s32 s21, s10  }
.Ltmp1:
0x1a: {  	[tilespmem:$0xFB80] =	vst v4;
	(pc) =	sbr.rel @!p0 .LBB2_9-.Ltmp1, $4  }
0x1b: {  	[hbm4b:s9+s2] =	stream.linear.scatter [tilespmem:s20], [sflag:$0x4], $0x10, $0x38;
	[tilespmem:$0xFC00] =	vst v63  }
0x1c: {  	_ =	swait.ge [sflag:s13], $0x10  }
0x1d: {  	[sflag:s13] =	ssyncset.done $0x0  }
0x1e: {  	[sflag:s13] =	ssyncadd.s32 $0xFFFFFFF0  }
.LBB2_1:
0x1f: {  	[tilespmem:s11], [sflag:$0x2] =	stream.linear.gather [hbm4b:s5+s2], $0x7D00, $0x38;
	[tilespmem:$0xFC00] =	vst v63  }
0x20: {  	_ = 	snop  }
0x21: {  	[tilespmem:s12], [sflag:$0x3] =	stream.linear.gather [hbm4b:s6+s2], $0x7D00, $0x38;
	[tilespmem:$0xFC00] =	vst v63  }
0x22: {  	_ = 	snop  }
0x23: {  	[tilespmem:s2], [sflag:$0x4] =	stream.linear.gather [hbm4b:s7+s2], $0x40, $0x38;
	[tilespmem:$0xFC00] =	vst v63  }
0x24: {  	_ =	swait.ge [sflag:s13], $0x40  }
0x25: {  	[sflag:s13] =	ssyncset.done $0x0  }
0x26: {  	[sflag:s13] =	ssyncadd.s32 $0xFFFFFFC0  }
0x27: {  	v4 =	vld [tilespmem:$0x0]  }
0x28: {  	v5 =	vld [tilespmem:$0x10]  }
0x29: {  	v6 =	vld [tilespmem:$0x20]  }
0x2a: {  	v7 =	vld [tilespmem:$0x30];
	_ =	sdelay $0x1  }
0x2b: {  	v4 =	vadd.s32 v4, v0  }
0x2c: {  	[tilespmem:$0x80] =	vst v4;
	v4 =	vadd.s32 v5, v1  }
0x2d: {  	[tilespmem:$0x90] =	vst v4;
	v4 =	vadd.s32 v6, v2  }
0x2e: {  	[tilespmem:$0xA0] =	vst v4;
	v4 =	vadd.s32 v7, v3  }
0x2f: {  	[tilespmem:$0xB0] =	vst v4  }
0x30: {  	[tilespmem:s16], [sflag:$0x1] =	stream.indirect.gather [hbm4b:s3+s14], $0x1, s15, s14, $0xb8;
	[tilespmem:$0xFC00] =	vst v63  }
0x31: {  	_ =	swait.ge [sflag:s17], $0x40  }
0x32: {  	[sflag:s17] =	ssyncset.done $0x0  }
0x33: {  	[sflag:s17] =	ssyncadd.s32 $0xFFFFFFC0  }
0x34: {  	[hbm4b:s8+s2] =	stream.linear.scatter [tilespmem:s16], [sflag:$0x4], $0x40, $0x38;
	[tilespmem:$0xFC00] =	vst v63  }
0x35: {  	v9 =	vimm.f32 $0.0e+00;
	v8 =	vimm.f32 $0.0e+00;
	_ =	swait.ge [sflag:s13], $0x40  }
0x36: {  	v11 =	vimm.f32 $0.0e+00;
	v10 =	vimm.f32 $0.0e+00;
	v5 =	vimm.f32 $0.0e+00;
	[sflag:s13] =	ssyncset.done $0x0  }
0x37: {  	s22 =	simm.s32 $0x0;
	v6 =	vimm.f32 $0.0e+00;
	v7 =	vimm.f32 $0.0e+00;
	v4 =	vimm.f32 $0.0e+00;
	[sflag:s13] =	ssyncadd.s32 $0xFFFFFFC0  }
.LBB2_2:
0x38: {  	_ =	swait.ge [sflag:s18], $0x7D00  }
0x39: {  	[sflag:s18] =	ssyncset.done $0x0  }
0x3a: {  	s25 =	simm.s32 $0x0;
	[sflag:s18] =	ssyncadd.s32 $0xFFFF8300  }
0x3b: {  	v15 =	vld [tilespmem:s25+$0x1F0]  }
0x3c: {  	v16 =	vld [tilespmem:s25+$0x180]  }
0x3d: {  	v17 =	vld [tilespmem:s25+$0x190]  }
0x3e: {  	v13 =	vld [tilespmem:s25+$0x1A0]  }
0x3f: {  	v14 =	vld [tilespmem:s25+$0x1B0]  }
0x40: {  	v12 =	vld [tilespmem:s25+$0x1C0]  }
0x41: {  	v9 =	vadd.f32 v15, v9;
	v15 =	vld [tilespmem:s25+$0x1D0]  }
0x42: {  	s24 =	simm.s32 $0x80;
	s23 =	simm.s32 $0x400;
	v10 =	vadd.f32 v16, v10;
	v11 =	vadd.f32 v17, v11;
	v16 =	vld [tilespmem:s25+$0x1E0]  }
.LBB2_3:
0x43: {  	p0 =	sne.s32 s23, $0x1F200;
	v17 =	vld [tilespmem:s24+$0x1F0];
	v8 =	vadd.f32 v13, v8  }
0x44: {  	v18 =	vld [tilespmem:s24+$0x180];
	v7 =	vadd.f32 v14, v7  }
0x45: {  	v19 =	vld [tilespmem:s24+$0x190];
	v6 =	vadd.f32 v12, v6  }
.Ltmp2:
0x46: {  	v13 =	vld [tilespmem:s24+$0x1A0];
	v5 =	vadd.f32 v15, v5;
	(pc) =	sbr.rel @p0 .LBB2_3-.Ltmp2, $4  }
0x47: {  	v14 =	vld [tilespmem:s24+$0x1B0];
	v4 =	vadd.f32 v16, v4  }
0x48: {  	v12 =	vld [tilespmem:s24+$0x1C0];
	v9 =	vadd.f32 v17, v9  }
0x49: {  	v10 =	vadd.f32 v18, v10;
	v15 =	vld [tilespmem:s24+$0x1D0]  }
0x4a: {  	v11 =	vadd.f32 v19, v11;
	v16 =	vld [tilespmem:s24+$0x1E0];
	s24 =	sshra.s32 s23, $0x2;
	s23 =	sadd.s32 $0x200, s23  }
0x4b: {  	v17 =	vld [tilespmem:s24+$0x1F0]  }
0x4c: {  	v18 =	vld [tilespmem:s24+$0x180];
	s23 =	sshll.u32 s22, $0x1;
	p0 =	seq.s32 s22, $0x7  }
0x4d: {  	v19 =	vld [tilespmem:s24+$0x190];
	s25 =	sadd.s32 @!p0 s4, s23  }
0x4e: {  	v20 =	vld [tilespmem:s24+$0x1A0];
	s25 =	smul.u32 @!p0 $0x7D00, s25  }
0x4f: {  	v21 =	vld [tilespmem:s24+$0x1B0]  }
0x50: {  	v22 =	vld [tilespmem:s24+$0x1C0];
	s25 =	sshrl.u32 @!p0 s25, $0x3  }
0x51: {  	v23 =	vld [tilespmem:s24+$0x1D0];
	s25 =	sadd.s32 @!p0 s3, s25  }
0x52: {  	v24 =	vld [tilespmem:s24+$0x1E0];
	s26 =	simm.s32 @!p0 $0x180;
	s24 =	sadd.s32 @!p0 $0x1F40, s25;
	s25 =	simm.s32 @!p0 $0x0  }
0x53: {  	[tilespmem:s26], [sflag:$0x2] =	stream.linear.gather @!p0 [hbm4b:s24+s25], $0x7D00, $0x38;
	[tilespmem:$0xFC00] =	vst v63  }
0x54: {  	_ =	swait.ge [sflag:s19], $0x7D00  }
0x55: {  	[sflag:s19] =	ssyncset.done $0x0  }
0x56: {  	s31 =	simm.s32 $0x0;
	[sflag:s19] =	ssyncadd.s32 $0xFFFF8300  }
0x57: {  	v8 =	vadd.f32 v13, v8;
	v7 =	vadd.f32 v14, v7;
	v25 =	vld [tilespmem:s31+$0x7EF0]  }
0x58: {  	v14 =	vadd.f32 v12, v6;
	v5 =	vadd.f32 v15, v5;
	v26 =	vld [tilespmem:s31+$0x7E80]  }
0x59: {  	v15 =	vadd.f32 v16, v4;
	v9 =	vadd.f32 v17, v9;
	v16 =	vld [tilespmem:s31+$0x7E90]  }
0x5a: {  	v10 =	vadd.f32 v18, v10;
	v11 =	vadd.f32 v19, v11;
	v12 =	vld [tilespmem:s31+$0x7EA0]  }
0x5b: {  	v6 =	vadd.f32 v20, v8;
	v4 =	vadd.f32 v21, v7;
	v13 =	vld [tilespmem:s31+$0x7EB0]  }
0x5c: {  	v7 =	vadd.f32 v22, v14;
	v5 =	vadd.f32 v23, v5;
	v14 =	vld [tilespmem:s31+$0x7EC0]  }
0x5d: {  	v8 =	vadd.f32 v24, v15;
	v15 =	vld [tilespmem:s31+$0x7ED0];
	v9 =	vadd.f32 v25, v9  }
0x5e: {  	s24 =	simm.s32 $0x80;
	s25 =	simm.s32 $0x400;
	v10 =	vadd.f32 v26, v10;
	v11 =	vadd.f32 v16, v11;
	v16 =	vld [tilespmem:s31+$0x7EE0]  }
.LBB2_5:
0x5f: {  	p1 =	sne.s32 s25, $0x1F200;
	v17 =	vld [tilespmem:s24+$0x7EF0];
	v6 =	vadd.f32 v12, v6  }
0x60: {  	v18 =	vld [tilespmem:s24+$0x7E80];
	v4 =	vadd.f32 v13, v4  }
0x61: {  	v19 =	vld [tilespmem:s24+$0x7E90];
	v7 =	vadd.f32 v14, v7  }
.Ltmp3:
0x62: {  	v12 =	vld [tilespmem:s24+$0x7EA0];
	v5 =	vadd.f32 v15, v5;
	(pc) =	sbr.rel @p1 .LBB2_5-.Ltmp3, $4  }
0x63: {  	v13 =	vld [tilespmem:s24+$0x7EB0];
	v8 =	vadd.f32 v16, v8  }
0x64: {  	v14 =	vld [tilespmem:s24+$0x7EC0];
	v9 =	vadd.f32 v17, v9  }
0x65: {  	v10 =	vadd.f32 v18, v10;
	v15 =	vld [tilespmem:s24+$0x7ED0]  }
0x66: {  	v11 =	vadd.f32 v19, v11;
	v16 =	vld [tilespmem:s24+$0x7EE0];
	s24 =	sshra.s32 s25, $0x2;
	s25 =	sadd.s32 $0x200, s25  }
0x67: {  	v17 =	vld [tilespmem:s24+$0x7EF0]  }
0x68: {  	v18 =	vld [tilespmem:s24+$0x7E80]  }
0x69: {  	v19 =	vld [tilespmem:s24+$0x7E90]  }
0x6a: {  	v20 =	vld [tilespmem:s24+$0x7EA0]  }
0x6b: {  	v21 =	vld [tilespmem:s24+$0x7EB0]  }
0x6c: {  	v22 =	vld [tilespmem:s24+$0x7EC0]  }
0x6d: {  	v6 =	vadd.f32 v12, v6;
	v60 =	vld [tilespmem:s24+$0x7ED0]  }
0x6e: {  	v62 =	vld [tilespmem:s24+$0x7EE0];
	v4 =	vadd.f32 v13, v4;
	v61 =	vadd.f32 v14, v7  }
.Ltmp4:
0x6f: {  	v5 =	vadd.f32 v15, v5;
	v63 =	vadd.f32 v16, v8;
	(pc) =	sbr.rel @p0 .LBB2_8-.Ltmp4, $4  }
0x70: {  	v9 =	vadd.f32 v17, v9;
	v10 =	vadd.f32 v18, v10  }
0x71: {  	v11 =	vadd.f32 v19, v11;
	v8 =	vadd.f32 v20, v6  }
0x72: {  	v7 =	vadd.f32 v21, v4;
	v6 =	vadd.f32 v22, v61  }
0x73: {  	v5 =	vadd.f32 v60, v5;
	v4 =	vadd.f32 v62, v63  }
0x74: {  	s23 =	sadd.s32 s23, s4  }
0x75: {  	s23 =	smul.u32 $0x7D00, s23;
	_ =	sdelay $0x1  }
.Ltmp5:
0x76: {  	s23 =	sadd.s32 $0x7D00, s23;
	(pc) =	sbr.rel .LBB2_2-.Ltmp5, $4  }
0x77: {  	s23 =	sshrl.u32 s23, $0x3  }
0x78: {  	s23 =	sadd.s32 s3, s23  }
0x79: {  	s22 =	sadd.s32 $0x1, s22;
	s23 =	sadd.s32 $0x1F40, s23  }
0x7a: {  	[tilespmem:s12], [sflag:$0x3] =	stream.linear.gather [hbm4b:s23+s2], $0x7D00, $0x38;
	[tilespmem:$0xFC00] =	vst v63  }
.LBB2_9:
0x7b: {  	_ =	sfence.sel $0x180000  }
0x7c: {  	[bflag:$0x0] =	sbarrier.arrive $0xFFFF  }
0x7d: {  	p0 =	sne.s32 s1, $0x0;
	_ =	strace $0x90000047  }
0x7e: {  	s0 =	sadd.s32 @!p0 $0x100000, s0;
	[bflag:$0x2] =	sbarrier.arrive $0xFFFF  }
0x7f: {  	[sflag:s0] =	ssyncadd.tile.s32 @!p0 $0x1;
	_ =	shalt  }
.Lfunc_end2:
_tile_overlayer_lowered:
.L_overlay_start_2:
0x80: {  	(tag) =	ssettag $0x2  }
0x81: {  	s0 =	rddreg [dreg:$0x0];
	s2 =	stileid.u32  }
0x82: {  	s1 =	rddreg [dreg:$0x1];
	p0 =	sne.s32 s2, $0x0  }
0x83: {  	s3 =	rddreg [dreg:$0x2];
	[bflag:$0x3] =	sbarrier.arrive $0xFFFF;
	s2 =	simm.s32 @!p0 $0x1C04  }
0x84: {  	[timem:s3], [sflag:s2] =	dma.local @!p0 [hbm:s0], s1  }
0x85: {  	s0 =	simm.s32 @!p0 $0x4  }
0x86: {  	_ =	swait.ge @!p0 [sflag:s0], s1  }
0x87: {  	s1 =	ssub.s32 @!p0 $0x0, s1;
	[sflag:s0] =	ssyncset.done @!p0 $0x0  }
0x88: {  	[sflag:s0] =	ssyncadd.s32 @!p0 s1  }
0x89: {  	[bflag:$0x3] =	sbarrier.arrive $0xFFFF  }
0x8a: {  	_ =	shalt  }

</sc_bundles>
